<compile_context>
chip_gen: v7x
topology: tpu7x:2x2x1
jax: 0.10.2.dev20260603
libtpu: 0.0.44.dev20260713+nightly
codegen_flags: <defaults>
</compile_context>

<pallas_src>
import jax
import jax.numpy as jnp
from jax import lax
from jax.experimental import pallas as pl
from jax.experimental.pallas import tpu as pltpu
from jax.experimental.pallas import tpu_sc as plsc

NC, NS = 2, 16
NV = 100000
NP = 100352
E = 3200000
K = 16
W = 128
VB = 56
EPR = E // W
_ZCH = NP // NS

_T_FULL = 784
_T_SMALL = 728
_REM_BASE = 30 * _T_FULL + 2 * _T_SMALL
_REM = EPR - _REM_BASE


def _tile_base_nb(g):
    base = jnp.where(g < 30, g * _T_FULL, 30 * _T_FULL + (g - 30) * _T_SMALL)
    nb = jnp.where(g < 30, _T_FULL // VB, _T_SMALL // VB)
    return base, nb

_sc_mesh = dict(core_axis_name="c", subcore_axis_name="s",
                num_cores=NC, num_subcores=NS)
_sc_params = pltpu.CompilerParams(use_tc_tiling_on_sc=False)

def _hist_body(idx_hbm, out_hbm, idx_v, ones_v, zb_v, bins):
    c = lax.axis_index("c")
    s = lax.axis_index("s")
    g = c * NS + s

    def _fill_ones(i, _):
        ones_v[pl.ds(i * 16, 16)] = jnp.ones((16,), jnp.float32)
        return 0

    lax.fori_loop(0, W // 16, _fill_ones, 0)

    def _fill_zeros(i, _):
        zb_v[pl.ds(i * 16, 16)] = jnp.zeros((16,), jnp.float32)
        return 0

    lax.fori_loop(0, _ZCH // 16, _fill_zeros, 0)

    zbase = pl.multiple_of(s * _ZCH, 128)
    pltpu.sync_copy(zb_v, bins.at[pl.ds(zbase, _ZCH)])
    plsc.subcore_barrier()

    base, nb = _tile_base_nb(g)

    def _hist_rows(r0, n):
        pltpu.sync_copy(idx_hbm.at[0, pl.ds(r0, n), :], idx_v.at[pl.ds(0, n), :])

        def _one_row(t, _):
            pltpu.sync_copy(ones_v, bins.at[idx_v.at[t]], add=True)
            return 0

        lax.fori_loop(0, n, _one_row, 0)

    def _one_batch(b, _):
        _hist_rows(pl.multiple_of(base + b * VB, 8), VB)
        return 0

    lax.fori_loop(0, nb, _one_batch, 0)

    @pl.when(g == 30)
    def _():
        _hist_rows(_REM_BASE, _REM)

    plsc.subcore_barrier()
    pltpu.sync_copy(bins.at[pl.ds(zbase, _ZCH)], out_hbm.at[c, 0, pl.ds(zbase, _ZCH)])


@jax.jit
def _hist_call(idx3):
    return pl.kernel(
        _hist_body,
        out_type=jax.ShapeDtypeStruct((NC, 1, NP), jnp.float32),
        mesh=plsc.VectorSubcoreMesh(**_sc_mesh),
        compiler_params=_sc_params,
        scratch_types=[
            pltpu.VMEM((VB, W), jnp.int32),
            pltpu.VMEM((W,), jnp.float32),
            pltpu.VMEM((_ZCH,), jnp.float32),
            pltpu.VMEM_SHARED((NP,), jnp.float32),
        ],
    )(idx3)


_GROUPS = NP // 128
_P_GB = 56
_P_GRID = _GROUPS // _P_GB


def _sel(q):
    m = lax.broadcasted_iota(jnp.int32, (128, 128), 0)
    l = lax.broadcasted_iota(jnp.int32, (128, 128), 1)
    return (m == 8 * q + l // 16).astype(jnp.float32)


def _prep_body(z_ref, dv_ref, y_ref, den_ref, sza_ref):
    i = pl.program_id(0)
    dv = dv_ref[0] + dv_ref[1]
    dvc = jnp.maximum(dv, 1.0)
    scale = lax.rsqrt(dvc)
    act = (dv > 0.0).astype(jnp.float32)
    den_p = jnp.zeros((1, 128), jnp.float32)
    sza_p = jnp.zeros((1, 128), jnp.float32)
    for q in range(16):
        sq = _sel(q)
        z = z_ref[:, q, :]
        z2 = z * z
        y_ref[:, q, :] = z * jnp.dot(scale, sq, preferred_element_type=jnp.float32)
        den_p += jnp.sum(z2 * jnp.dot(dvc, sq, preferred_element_type=jnp.float32),
                         axis=0, keepdims=True)
        sza_p += jnp.sum(z2 * jnp.dot(act, sq, preferred_element_type=jnp.float32),
                         axis=0, keepdims=True)

    @pl.when(i == 0)
    def _():
        den_ref[...] = den_p
        sza_ref[...] = sza_p

    @pl.when(i > 0)
    def _():
        den_ref[...] += den_p
        sza_ref[...] += sza_p


@jax.jit
def _prep_call(z4, dvp):
    return pl.pallas_call(
        _prep_body,
        grid=(_P_GRID,),
        in_specs=[
            pl.BlockSpec((_P_GB, 16, 128), lambda i: (i, 0, 0)),
            pl.BlockSpec((NC, _P_GB, 128), lambda i: (0, i, 0)),
        ],
        out_specs=[
            pl.BlockSpec((_P_GB, 16, 128), lambda i: (i, 0, 0)),
            pl.BlockSpec((1, 128), lambda i: (0, 0)),
            pl.BlockSpec((1, 128), lambda i: (0, 0)),
        ],
        out_shape=[
            jax.ShapeDtypeStruct((_GROUPS, 16, 128), jnp.float32),
            jax.ShapeDtypeStruct((1, 128), jnp.float32),
            jax.ShapeDtypeStruct((1, 128), jnp.float32),
        ],
    )(z4, dvp)


_S_ZROWS = 784


_NBUF = 5
_EVH = VB // 2


def _scatter_body(y_hbm, idx_hbm, out_hbm, oute_hbm, nv, ev,
                  r0b, r1b, r2b, r3b, r4b, ones_v, zv,
                  s0, s1, s2, s3, s4, acc, ebins):
    c = lax.axis_index("c")
    s = lax.axis_index("s")
    g = c * NS + s
    rbufs = (r0b, r1b, r2b, r3b, r4b)
    sems = (s0, s1, s2, s3, s4)

    def _fill_zeros(i, _):
        r0b[i, :] = jnp.zeros((16,), jnp.float32)
        return 0

    lax.fori_loop(0, W, _fill_zeros, 0)

    def _fill_ones(i, _):
        ones_v[pl.ds(i * 16, 16)] = jnp.ones((16,), jnp.float32)
        zv[pl.ds(i * 16, 16)] = jnp.zeros((16,), jnp.float32)
        return 0

    lax.fori_loop(0, W // 16, _fill_ones, 0)

    for t in range(_ZCH // W):
        z0 = pl.multiple_of(s * _ZCH + t * W, 8)
        pltpu.sync_copy(r0b, acc.at[pl.ds(z0, W), :])
        pltpu.sync_copy(zv, ebins.at[pl.ds(z0, W)])
    plsc.subcore_barrier()

    base, nb = _tile_base_nb(g)

    def _pairs(r0, n):
        h = min(n, _EVH)
        pltpu.sync_copy(idx_hbm.at[0, pl.ds(r0, n), :], nv.at[pl.ds(0, n), :])
        pltpu.sync_copy(idx_hbm.at[1, pl.ds(r0, h), :], ev.at[pl.ds(0, h), :])
        for t in range(_NBUF):
            pltpu.async_copy(y_hbm.at[nv.at[t]], rbufs[t], sems[t])
        for t in range(n):
            if t == h and n > h:
                pltpu.sync_copy(idx_hbm.at[1, pl.ds(r0 + h, n - h), :],
                                ev.at[pl.ds(0, n - h), :])
            k = t % _NBUF
            pltpu.make_async_copy(y_hbm.at[nv.at[t]], rbufs[k], sems[k]).wait()
            e_t = ev.at[t] if t < h else ev.at[t - h]
            pltpu.sync_copy(rbufs[k], acc.at[e_t], add=True)
            pltpu.sync_copy(ones_v, ebins.at[e_t], add=True)
            if t + _NBUF < n:
                pltpu.async_copy(y_hbm.at[nv.at[t + _NBUF]], rbufs[k], sems[k])

    def _batch(b, _):
        _pairs(pl.multiple_of(base + b * VB, 8), VB)
        return 0

    lax.fori_loop(0, nb, _batch, 0)

    @pl.when(g == 30)
    def _():
        _pairs(_REM_BASE, _REM)

    plsc.subcore_barrier()
    for t in range(8):
        r0 = pl.multiple_of(s * _ZCH + t * _S_ZROWS, 8)
        pltpu.sync_copy(acc.at[pl.ds(r0, _S_ZROWS), :],
                        out_hbm.at[c, pl.ds(r0, _S_ZROWS), :])
    zbase = pl.multiple_of(s * _ZCH, 128)
    pltpu.sync_copy(ebins.at[pl.ds(zbase, _ZCH)], oute_hbm.at[c, 0, pl.ds(zbase, _ZCH)])


@jax.jit
def _scatter_call(y, idx3):
    return pl.kernel(
        _scatter_body,
        out_type=[
            jax.ShapeDtypeStruct((NC, NP, K), jnp.float32),
            jax.ShapeDtypeStruct((NC, 1, NP), jnp.float32),
        ],
        mesh=plsc.VectorSubcoreMesh(**_sc_mesh),
        compiler_params=_sc_params,
        scratch_types=[
            pltpu.VMEM((VB, W), jnp.int32),
            pltpu.VMEM((_EVH, W), jnp.int32),
            pltpu.VMEM((W, K), jnp.float32),
            pltpu.VMEM((W, K), jnp.float32),
            pltpu.VMEM((W, K), jnp.float32),
            pltpu.VMEM((W, K), jnp.float32),
            pltpu.VMEM((W, K), jnp.float32),
            pltpu.VMEM((W,), jnp.float32),
            pltpu.VMEM((W,), jnp.float32),
            pltpu.SemaphoreType.DMA,
            pltpu.SemaphoreType.DMA,
            pltpu.SemaphoreType.DMA,
            pltpu.SemaphoreType.DMA,
            pltpu.SemaphoreType.DMA,
            pltpu.VMEM_SHARED((NP, K), jnp.float32),
            pltpu.VMEM_SHARED((NP,), jnp.float32),
        ],
    )(y, idx3)


_F_GB = 56
_F_GRID = _GROUPS // _F_GB


def _final_body(p0_ref, p1_ref, de_ref, den_ref, sza_ref, out_ref, acc_ref):
    i = pl.program_id(0)

    @pl.when(i == 0)
    def _():
        acc_ref[...] = jnp.zeros_like(acc_ref)

    de = jnp.maximum(de_ref[0] + de_ref[1], 1.0)
    part = jnp.zeros((1, 128), jnp.float32)
    for q in range(16):
        de16 = jnp.dot(de, _sel(q), preferred_element_type=jnp.float32)
        ys = p0_ref[:, q, :] + p1_ref[:, q, :]
        part += jnp.sum(ys * ys / de16, axis=0, keepdims=True)
    acc_ref[...] += part

    @pl.when(i == pl.num_programs(0) - 1)
    def _():
        lf = lax.broadcasted_iota(jnp.int32, (128, 16), 0)
        cf = lax.broadcasted_iota(jnp.int32, (128, 16), 1)
        fold = (lf % 16 == cf).astype(jnp.float32)
        num16 = jnp.dot(sza_ref[...] - acc_ref[...], fold,
                        preferred_element_type=jnp.float32)
        den16 = jnp.dot(den_ref[...], fold, preferred_element_type=jnp.float32)
        rq = num16 / (den16 + 1e-8)
        out_ref[...] = (jnp.sum(rq) / 16.0).reshape(1, 1)


@jax.jit
def _final_call(p0, p1, dep, den8, sza8):
    return pl.pallas_call(
        _final_body,
        grid=(_F_GRID,),
        in_specs=[
            pl.BlockSpec((_F_GB, 16, 128), lambda i: (i, 0, 0)),
            pl.BlockSpec((_F_GB, 16, 128), lambda i: (i, 0, 0)),
            pl.BlockSpec((NC, _F_GB, 128), lambda i: (0, i, 0)),
            pl.BlockSpec((1, 128), lambda i: (0, 0)),
            pl.BlockSpec((1, 128), lambda i: (0, 0)),
        ],
        out_specs=pl.BlockSpec((1, 1), lambda i: (0, 0)),
        out_shape=jax.ShapeDtypeStruct((1, 1), jnp.float32),
        scratch_shapes=[pltpu.VMEM((1, 128), jnp.float32)],
    )(p0, p1, dep, den8, sza8)


def kernel(Z, hyperedge_index, num_nodes):
    del num_nodes
    idx3 = hyperedge_index.reshape(2, EPR, W)
    hist = _hist_call(idx3)
    dvp = hist.reshape(NC, _GROUPS, 128)
    z4 = jnp.pad(Z, ((0, NP - NV), (0, 0))).reshape(_GROUPS, 16, 128)
    y4, den8, sza8 = _prep_call(z4, dvp)
    y = y4.reshape(NP, K)
    parts, ehist = _scatter_call(y, idx3)
    parts4 = parts.reshape(NC, _GROUPS, 16, 128)
    dep = ehist.reshape(NC, _GROUPS, 128)
    loss = _final_call(parts4[0], parts4[1], dep, den8, sza8)
    return loss.reshape(())

# --- scband reference (transcript-rebuilt; emitter-appended) ---
"""Pipeline reference for scband-hypergraph-rayleigh-quotient-loss-direct-60773787238818 (READ-ONLY COPY).

The authoritative reference and input builder live on the scoring server;
editing this copy changes nothing except your own understanding.
"""

import jax, jax.numpy as jnp
import numpy as np


def setup_inputs(seed: int = 0) -> dict:
    key = jax.random.key(seed)
    k1, k2 = jax.random.split(key)
    Z = jax.random.normal(k1, (100000, 16), dtype=jnp.float32)
    hyperedge_index = jax.random.randint(k2, (2, 3200000), 0, 100000, dtype=jnp.int32)
    return {"Z": Z, "hyperedge_index": hyperedge_index, "num_nodes": 100000}


def reference(Z, hyperedge_index, num_nodes):
    k = Z.shape[1]
    node_idx = hyperedge_index[0]
    edge_idx = hyperedge_index[1]
    num_hyperedges = Z.shape[0]
    hyperedge_weight = jnp.where(jnp.arange(num_hyperedges) < num_nodes, 1.0, 1.0).astype(jnp.float32)
    edge_weights_expanded = hyperedge_weight[edge_idx]
    Dv = jnp.zeros((Z.shape[0],), dtype=jnp.float32).at[node_idx].add(edge_weights_expanded)
    De = jnp.zeros((num_hyperedges,), dtype=jnp.float32).at[edge_idx].add(jnp.ones_like(edge_idx, dtype=jnp.float32))
    Dv = jnp.where(Dv == 0.0, 1.0, Dv)
    De = jnp.where(De == 0.0, 1.0, De)
    Dv_inv_sqrt = (Dv ** -0.5)[:, None]
    Y = Dv_inv_sqrt * Z
    # vectorized over all k columns; identical math to the per-column torch loop
    y_gather = Y[node_idx]  # [E, k] gather
    y_sum_per_edge = jnp.zeros((num_hyperedges, k), dtype=jnp.float32).at[edge_idx].add(y_gather)
    y_sq_sum_per_edge = jnp.zeros((num_hyperedges, k), dtype=jnp.float32).at[edge_idx].add(y_gather ** 2)
    term_per_edge = De[:, None] * y_sq_sum_per_edge - y_sum_per_edge ** 2
    numerators = jnp.sum(hyperedge_weight[:, None] * term_per_edge / De[:, None], axis=0)  # [k]
    denominators = jnp.sum(Z ** 2 * Dv[:, None], axis=0)  # [k]
    epsilon = 1e-08
    rayleigh_quotients = numerators / (denominators + epsilon)
    main_loss = jnp.mean(rayleigh_quotients)
    total_loss = main_loss
    return total_loss

if __name__ == "__main__":
    import jax
    _d = setup_inputs()
    print(jax.jit(kernel)(*tuple(_d.values())))

</pallas_src>

<mosaic_0001>
#map = affine_map<(d0, d1) -> (0, 0, 0)>
module attributes {stable_mosaic.version = 14 : i64} {
  func.func @_hist_body(%arg0: i32, %arg1: i32, %arg2: memref<2x25000x128xi32, #tpu.memory_space<hbm>>, %arg3: memref<2x1x100352xf32, #tpu.memory_space<hbm>>, %arg4: memref<56x128xi32, #tpu.memory_space<vmem>>, %arg5: memref<128xf32, #tpu.memory_space<vmem>>, %arg6: memref<6272xf32, #tpu.memory_space<vmem>>, %arg7: memref<100352xf32, #tpu.memory_space<vmem_shared>>) attributes {dimension_semantics = [#tpu.dimension_semantics<core_parallel>, #tpu.dimension_semantics<subcore_parallel>], iteration_bounds = array<i64: 2, 16>, scalar_prefetch = 0 : i64, scratch_operands = 4 : i64, tpu.core_type = #tpu.core_type<sc_vector_subcore>, window_params = [{transform_indices = #map}, {transform_indices = #map}]} {
    %mul3A = arith.constant 16 : i32
    %mul3A_0 = arith.muli %arg0, %mul3A : i32
    %add3A = arith.addi %mul3A_0, %arg1 : i32
    %scan3A = arith.constant 0 : i32
    %scan3A_1 = arith.constant 0 : i32
    %scan3A_2 = arith.constant 8 : i32
    %scan3A_3 = arith.addi %scan3A_1, %scan3A_2 : i32
    %scan3A_4 = arith.constant 1 : i32
    %scan3A_5 = scf.for %scan3A_42 = %scan3A_1 to %scan3A_3 step %scan3A_4 iter_args(%scan3A_43 = %scan3A) -> (i32)  : i32 {
      %broadcast_in_dim3A = arith.constant 1.000000e+00 : f32
      %broadcast_in_dim3A_44 = vector.broadcast %broadcast_in_dim3A : f32 to vector<16xf32>
      %mul3A_45 = arith.constant 16 : i32
      %mul3A_46 = arith.muli %scan3A_42, %mul3A_45 : i32
      %swap3A = arith.index_cast %mul3A_46 : i32 to index
      %swap3A_47 = tpu.vector_load %arg5[%swap3A] {strides = array<i32>} : memref<128xf32, #tpu.memory_space<vmem>>, vector<16xf32>,
      %swap3A_48 = vector.shape_cast %swap3A_47 : vector<16xf32> to vector<16xf32>
      %swap3A_49 = vector.shape_cast %broadcast_in_dim3A_44 : vector<16xf32> to vector<16xf32>
      tpu.vector_store %arg5[%swap3A], %swap3A_49 {strides = array<i32>} : memref<128xf32, #tpu.memory_space<vmem>>, vector<16xf32>,
      %scan3A_50 = arith.constant 0 : i32
      scf.yield %scan3A_50 : i32
    }
    %scan3A_6 = arith.constant 8 : i32
    %scan3A_7 = arith.constant 0 : i32
    %scan3A_8 = arith.constant 0 : i32
    %scan3A_9 = arith.constant 392 : i32
    %scan3A_10 = arith.addi %scan3A_8, %scan3A_9 : i32
    %scan3A_11 = arith.constant 1 : i32
    %scan3A_12 = scf.for %scan3A_42 = %scan3A_8 to %scan3A_10 step %scan3A_11 iter_args(%scan3A_43 = %scan3A_7) -> (i32)  : i32 {
      %broadcast_in_dim3A = arith.constant 0.000000e+00 : f32
      %broadcast_in_dim3A_44 = vector.broadcast %broadcast_in_dim3A : f32 to vector<16xf32>
      %mul3A_45 = arith.constant 16 : i32
      %mul3A_46 = arith.muli %scan3A_42, %mul3A_45 : i32
      %swap3A = arith.index_cast %mul3A_46 : i32 to index
      %swap3A_47 = tpu.vector_load %arg6[%swap3A] {strides = array<i32>} : memref<6272xf32, #tpu.memory_space<vmem>>, vector<16xf32>,
      %swap3A_48 = vector.shape_cast %swap3A_47 : vector<16xf32> to vector<16xf32>
      %swap3A_49 = vector.shape_cast %broadcast_in_dim3A_44 : vector<16xf32> to vector<16xf32>
      tpu.vector_store %arg6[%swap3A], %swap3A_49 {strides = array<i32>} : memref<6272xf32, #tpu.memory_space<vmem>>, vector<16xf32>,
      %scan3A_50 = arith.constant 0 : i32
      scf.yield %scan3A_50 : i32
    }
    %scan3A_13 = arith.constant 392 : i32
    %mul3A_14 = arith.constant 6272 : i32
    %mul3A_15 = arith.muli %arg1, %mul3A_14 : i32
    %multiple_of3A = tpu.assume_multiple %mul3A_15, 128 : i32
    "tpu.region"() ({
      %run_scoped3A_42 = tpu.sem_alloc : memref<!tpu.dma_semaphore, #tpu.memory_space<semaphore_mem>>
      %dma_start3A = tpu.memref_slice %arg7[%multiple_of3A] : memref<100352xf32, #tpu.memory_space<vmem_shared>> -> memref<6272xf32, #tpu.memory_space<vmem_shared>>
      %dma_start3A_43 = tpu.memref_slice %arg7[%multiple_of3A] : memref<100352xf32, #tpu.memory_space<vmem_shared>> -> memref<6272xf32, #tpu.memory_space<vmem_shared>>
      tpu.enqueue_dma source(%arg6 : memref<6272xf32, #tpu.memory_space<vmem>>) target(%dma_start3A_43 : memref<6272xf32, #tpu.memory_space<vmem_shared>>) target_semaphore(%run_scoped3A_42 : memref<!tpu.dma_semaphore, #tpu.memory_space<semaphore_mem>>)
      %dma_wait3A = tpu.memref_slice %arg7[%multiple_of3A] : memref<100352xf32, #tpu.memory_space<vmem_shared>> -> memref<6272xf32, #tpu.memory_space<vmem_shared>>
      %dma_wait3A_44 = tpu.memref_slice %arg7[%multiple_of3A] : memref<100352xf32, #tpu.memory_space<vmem_shared>> -> memref<6272xf32, #tpu.memory_space<vmem_shared>>
      tpu.wait_dma2 semaphore(%run_scoped3A_42 : memref<!tpu.dma_semaphore, #tpu.memory_space<semaphore_mem>>) src(%arg6 : memref<6272xf32, #tpu.memory_space<vmem>>) dst(%dma_wait3A_44 : memref<6272xf32, #tpu.memory_space<vmem_shared>>)
      tpu.yield
    }) : () -> ()
    %barrier3A = arith.constant 0 : index
    tpu.barrier barrier_id(%barrier3A)
    %lt3A = arith.constant 30 : i32
    %lt3A_16 = arith.cmpi slt, %add3A, %lt3A : i32
    %mul3A_17 = arith.constant 784 : i32
    %mul3A_18 = arith.muli %add3A, %mul3A_17 : i32
    %sub3A = arith.constant 30 : i32
    %sub3A_19 = arith.subi %add3A, %sub3A : i32
    %mul3A_20 = arith.constant 728 : i32
    %mul3A_21 = arith.muli %sub3A_19, %mul3A_20 : i32
    %add3A_22 = arith.constant 23520 : i32
    %add3A_23 = arith.addi %add3A_22, %mul3A_21 : i32
    %select_n3A = arith.select %lt3A_16, %mul3A_18, %add3A_23 : i32
    %lt3A_24 = arith.constant 30 : i32
    %lt3A_25 = arith.cmpi slt, %add3A, %lt3A_24 : i32
    %jit3A = arith.constant 14 : i32
    %jit3A_26 = arith.constant 13 : i32
    %select_n3A_27 = arith.select %lt3A_25, %jit3A, %jit3A_26 : i32
    %while3A = arith.constant 0 : i32
    %while3A_28 = arith.constant 0 : i32
    %while3A_29 = arith.subi %select_n3A_27, %while3A : i32
    %while3A_30 = arith.addi %while3A, %while3A_29 : i32
    %while3A_31 = arith.constant 1 : i32
    %while3A_32 = arith.divsi %while3A_29, %while3A_31 : i32
    %while3A_33 = arith.muli %while3A_32, %while3A_31 : i32
    %while3A_34 = arith.addi %while3A, %while3A_33 : i32
    %while3A_35 = arith.constant 1 : i32
    %while3A_36 = scf.for %while3A_42 = %while3A to %while3A_34 step %while3A_35 iter_args(%while3A_43 = %while3A_28) -> (i32)  : i32 {
      %mul3A_44 = arith.constant 56 : i32
      %mul3A_45 = arith.muli %while3A_42, %mul3A_44 : i32
      %add3A_46 = arith.addi %select_n3A, %mul3A_45 : i32
      %multiple_of3A_47 = tpu.assume_multiple %add3A_46, 8 : i32
      %run_scoped3A_48 = arith.constant 0 : i32
      "tpu.region"() ({
        %run_scoped3A_57 = tpu.sem_alloc : memref<!tpu.dma_semaphore, #tpu.memory_space<semaphore_mem>>
        %dma_start3A = arith.constant 0 : i32
        %dma_start3A_58 = arith.constant 0 : i32
        %dma_start3A_59 = tpu.memref_slice %arg4[%dma_start3A, %dma_start3A_58] : memref<56x128xi32, #tpu.memory_space<vmem>> -> memref<56x128xi32, #tpu.memory_space<vmem>>
        %dma_start3A_60 = arith.constant 0 : i32
        %dma_start3A_61 = tpu.memref_slice %arg2[%run_scoped3A_48, %multiple_of3A_47, %dma_start3A_60] : memref<2x25000x128xi32, #tpu.memory_space<hbm>> -> memref<1x56x128xi32, #tpu.memory_space<hbm>>
        %dma_start3A_62 = tpu.memref_squeeze %dma_start3A_61 : memref<1x56x128xi32, #tpu.memory_space<hbm>> -> memref<56x128xi32, #tpu.memory_space<hbm>>
        %dma_start3A_63 = arith.constant 0 : i32
        %dma_start3A_64 = arith.constant 0 : i32
        %dma_start3A_65 = tpu.memref_slice %arg4[%dma_start3A_63, %dma_start3A_64] : memref<56x128xi32, #tpu.memory_space<vmem>> -> memref<56x128xi32, #tpu.memory_space<vmem>>
        %dma_start3A_66 = arith.constant 0 : i32
        %dma_start3A_67 = tpu.memref_slice %arg2[%run_scoped3A_48, %multiple_of3A_47, %dma_start3A_66] : memref<2x25000x128xi32, #tpu.memory_space<hbm>> -> memref<1x56x128xi32, #tpu.memory_space<hbm>>
        %dma_start3A_68 = tpu.memref_squeeze %dma_start3A_67 : memref<1x56x128xi32, #tpu.memory_space<hbm>> -> memref<56x128xi32, #tpu.memory_space<hbm>>
        tpu.enqueue_dma source(%dma_start3A_68 : memref<56x128xi32, #tpu.memory_space<hbm>>) target(%dma_start3A_65 : memref<56x128xi32, #tpu.memory_space<vmem>>) target_semaphore(%run_scoped3A_57 : memref<!tpu.dma_semaphore, #tpu.memory_space<semaphore_mem>>)
        %dma_wait3A = arith.constant 0 : i32
        %dma_wait3A_69 = arith.constant 0 : i32
        %dma_wait3A_70 = tpu.memref_slice %arg4[%dma_wait3A, %dma_wait3A_69] : memref<56x128xi32, #tpu.memory_space<vmem>> -> memref<56x128xi32, #tpu.memory_space<vmem>>
        %dma_wait3A_71 = arith.constant 0 : i32
        %dma_wait3A_72 = tpu.memref_slice %arg2[%run_scoped3A_48, %multiple_of3A_47, %dma_wait3A_71] : memref<2x25000x128xi32, #tpu.memory_space<hbm>> -> memref<1x56x128xi32, #tpu.memory_space<hbm>>
        %dma_wait3A_73 = tpu.memref_squeeze %dma_wait3A_72 : memref<1x56x128xi32, #tpu.memory_space<hbm>> -> memref<56x128xi32, #tpu.memory_space<hbm>>
        %dma_wait3A_74 = arith.constant 0 : i32
        %dma_wait3A_75 = arith.constant 0 : i32
        %dma_wait3A_76 = tpu.memref_slice %arg4[%dma_wait3A_74, %dma_wait3A_75] : memref<56x128xi32, #tpu.memory_space<vmem>> -> memref<56x128xi32, #tpu.memory_space<vmem>>
        %dma_wait3A_77 = arith.constant 0 : i32
        %dma_wait3A_78 = tpu.memref_slice %arg2[%run_scoped3A_48, %multiple_of3A_47, %dma_wait3A_77] : memref<2x25000x128xi32, #tpu.memory_space<hbm>> -> memref<1x56x128xi32, #tpu.memory_space<hbm>>
        %dma_wait3A_79 = tpu.memref_squeeze %dma_wait3A_78 : memref<1x56x128xi32, #tpu.memory_space<hbm>> -> memref<56x128xi32, #tpu.memory_space<hbm>>
        tpu.wait_dma2 semaphore(%run_scoped3A_57 : memref<!tpu.dma_semaphore, #tpu.memory_space<semaphore_mem>>) src(%dma_wait3A_79 : memref<56x128xi32, #tpu.memory_space<hbm>>) dst(%dma_wait3A_76 : memref<56x128xi32, #tpu.memory_space<vmem>>)
        tpu.yield
      }) : () -> ()
      %scan3A_49 = arith.constant 0 : i32
      %scan3A_50 = arith.constant 0 : i32
      %scan3A_51 = arith.constant 56 : i32
      %scan3A_52 = arith.addi %scan3A_50, %scan3A_51 : i32
      %scan3A_53 = arith.constant 1 : i32
      %scan3A_54 = scf.for %scan3A_57 = %scan3A_50 to %scan3A_52 step %scan3A_53 iter_args(%scan3A_58 = %scan3A_49) -> (i32)  : i32 {
        "tpu.region"() ({
          %run_scoped3A_60 = tpu.sem_alloc : memref<!tpu.dma_semaphore, #tpu.memory_space<semaphore_mem>>
          %dma_start3A = arith.constant 0 : i32
          %dma_start3A_61 = tpu.memref_slice %arg4[%scan3A_57, %dma_start3A] : memref<56x128xi32, #tpu.memory_space<vmem>> -> memref<1x128xi32, #tpu.memory_space<vmem>>
          %dma_start3A_62 = tpu.memref_squeeze %dma_start3A_61 : memref<1x128xi32, #tpu.memory_space<vmem>> -> memref<128xi32, #tpu.memory_space<vmem>>
          %dma_start3A_63 = arith.constant 0 : i32
          %dma_start3A_64 = tpu.memref_slice %arg7[%dma_start3A_63] : memref<100352xf32, #tpu.memory_space<vmem_shared>> -> memref<100352xf32, #tpu.memory_space<vmem_shared>>
          tpu.enqueue_indirect_dma source(%arg5 : memref<128xf32, #tpu.memory_space<vmem>>) target(%dma_start3A_64 : memref<100352xf32, #tpu.memory_space<vmem_shared>>) offsets(%dma_start3A_62 : memref<128xi32, #tpu.memory_space<vmem>>) semaphore(%run_scoped3A_60 : memref<!tpu.dma_semaphore, #tpu.memory_space<semaphore_mem>>) {add = true}
          %dma_wait3A = arith.constant 0 : i32
          %dma_wait3A_65 = tpu.memref_slice %arg4[%scan3A_57, %dma_wait3A] : memref<56x128xi32, #tpu.memory_space<vmem>> -> memref<1x128xi32, #tpu.memory_space<vmem>>
          %dma_wait3A_66 = tpu.memref_squeeze %dma_wait3A_65 : memref<1x128xi32, #tpu.memory_space<vmem>> -> memref<128xi32, #tpu.memory_space<vmem>>
          %dma_wait3A_67 = arith.constant 0 : i32
          %dma_wait3A_68 = tpu.memref_slice %arg7[%dma_wait3A_67] : memref<100352xf32, #tpu.memory_space<vmem_shared>> -> memref<100352xf32, #tpu.memory_space<vmem_shared>>
          tpu.wait_indirect_dma semaphore(%run_scoped3A_60 : memref<!tpu.dma_semaphore, #tpu.memory_space<semaphore_mem>>) src(%arg5 : memref<128xf32, #tpu.memory_space<vmem>>) dst(%dma_wait3A_68 : memref<100352xf32, #tpu.memory_space<vmem_shared>>)
          tpu.yield
        }) : () -> ()
        %scan3A_59 = arith.constant 0 : i32
        scf.yield %scan3A_59 : i32
      }
      %scan3A_55 = arith.constant 56 : i32
      %while3A_56 = arith.constant 0 : i32
      scf.yield %while3A_56 : i32
    }
    %while3A_37 = arith.constant 1 : i32
    %while3A_38 = scf.for %while3A_42 = %while3A_34 to %while3A_30 step %while3A_37 iter_args(%while3A_43 = %while3A_36) -> (i32)  : i32 {
      %mul3A_44 = arith.constant 56 : i32
      %mul3A_45 = arith.muli %while3A_42, %mul3A_44 : i32
      %add3A_46 = arith.addi %select_n3A, %mul3A_45 : i32
      %multiple_of3A_47 = tpu.assume_multiple %add3A_46, 8 : i32
      %run_scoped3A_48 = arith.constant 0 : i32
      "tpu.region"() ({
        %run_scoped3A_57 = tpu.sem_alloc : memref<!tpu.dma_semaphore, #tpu.memory_space<semaphore_mem>>
        %dma_start3A = arith.constant 0 : i32
        %dma_start3A_58 = arith.constant 0 : i32
        %dma_start3A_59 = tpu.memref_slice %arg4[%dma_start3A, %dma_start3A_58] : memref<56x128xi32, #tpu.memory_space<vmem>> -> memref<56x128xi32, #tpu.memory_space<vmem>>
        %dma_start3A_60 = arith.constant 0 : i32
        %dma_start3A_61 = tpu.memref_slice %arg2[%run_scoped3A_48, %multiple_of3A_47, %dma_start3A_60] : memref<2x25000x128xi32, #tpu.memory_space<hbm>> -> memref<1x56x128xi32, #tpu.memory_space<hbm>>
        %dma_start3A_62 = tpu.memref_squeeze %dma_start3A_61 : memref<1x56x128xi32, #tpu.memory_space<hbm>> -> memref<56x128xi32, #tpu.memory_space<hbm>>
        %dma_start3A_63 = arith.constant 0 : i32
        %dma_start3A_64 = arith.constant 0 : i32
        %dma_start3A_65 = tpu.memref_slice %arg4[%dma_start3A_63, %dma_start3A_64] : memref<56x128xi32, #tpu.memory_space<vmem>> -> memref<56x128xi32, #tpu.memory_space<vmem>>
        %dma_start3A_66 = arith.constant 0 : i32
        %dma_start3A_67 = tpu.memref_slice %arg2[%run_scoped3A_48, %multiple_of3A_47, %dma_start3A_66] : memref<2x25000x128xi32, #tpu.memory_space<hbm>> -> memref<1x56x128xi32, #tpu.memory_space<hbm>>
        %dma_start3A_68 = tpu.memref_squeeze %dma_start3A_67 : memref<1x56x128xi32, #tpu.memory_space<hbm>> -> memref<56x128xi32, #tpu.memory_space<hbm>>
        tpu.enqueue_dma source(%dma_start3A_68 : memref<56x128xi32, #tpu.memory_space<hbm>>) target(%dma_start3A_65 : memref<56x128xi32, #tpu.memory_space<vmem>>) target_semaphore(%run_scoped3A_57 : memref<!tpu.dma_semaphore, #tpu.memory_space<semaphore_mem>>)
        %dma_wait3A = arith.constant 0 : i32
        %dma_wait3A_69 = arith.constant 0 : i32
        %dma_wait3A_70 = tpu.memref_slice %arg4[%dma_wait3A, %dma_wait3A_69] : memref<56x128xi32, #tpu.memory_space<vmem>> -> memref<56x128xi32, #tpu.memory_space<vmem>>
        %dma_wait3A_71 = arith.constant 0 : i32
        %dma_wait3A_72 = tpu.memref_slice %arg2[%run_scoped3A_48, %multiple_of3A_47, %dma_wait3A_71] : memref<2x25000x128xi32, #tpu.memory_space<hbm>> -> memref<1x56x128xi32, #tpu.memory_space<hbm>>
        %dma_wait3A_73 = tpu.memref_squeeze %dma_wait3A_72 : memref<1x56x128xi32, #tpu.memory_space<hbm>> -> memref<56x128xi32, #tpu.memory_space<hbm>>
        %dma_wait3A_74 = arith.constant 0 : i32
        %dma_wait3A_75 = arith.constant 0 : i32
        %dma_wait3A_76 = tpu.memref_slice %arg4[%dma_wait3A_74, %dma_wait3A_75] : memref<56x128xi32, #tpu.memory_space<vmem>> -> memref<56x128xi32, #tpu.memory_space<vmem>>
        %dma_wait3A_77 = arith.constant 0 : i32
        %dma_wait3A_78 = tpu.memref_slice %arg2[%run_scoped3A_48, %multiple_of3A_47, %dma_wait3A_77] : memref<2x25000x128xi32, #tpu.memory_space<hbm>> -> memref<1x56x128xi32, #tpu.memory_space<hbm>>
        %dma_wait3A_79 = tpu.memref_squeeze %dma_wait3A_78 : memref<1x56x128xi32, #tpu.memory_space<hbm>> -> memref<56x128xi32, #tpu.memory_space<hbm>>
        tpu.wait_dma2 semaphore(%run_scoped3A_57 : memref<!tpu.dma_semaphore, #tpu.memory_space<semaphore_mem>>) src(%dma_wait3A_79 : memref<56x128xi32, #tpu.memory_space<hbm>>) dst(%dma_wait3A_76 : memref<56x128xi32, #tpu.memory_space<vmem>>)
        tpu.yield
      }) : () -> ()
      %scan3A_49 = arith.constant 0 : i32
      %scan3A_50 = arith.constant 0 : i32
      %scan3A_51 = arith.constant 56 : i32
      %scan3A_52 = arith.addi %scan3A_50, %scan3A_51 : i32
      %scan3A_53 = arith.constant 1 : i32
      %scan3A_54 = scf.for %scan3A_57 = %scan3A_50 to %scan3A_52 step %scan3A_53 iter_args(%scan3A_58 = %scan3A_49) -> (i32)  : i32 {
        "tpu.region"() ({
          %run_scoped3A_60 = tpu.sem_alloc : memref<!tpu.dma_semaphore, #tpu.memory_space<semaphore_mem>>
          %dma_start3A = arith.constant 0 : i32
          %dma_start3A_61 = tpu.memref_slice %arg4[%scan3A_57, %dma_start3A] : memref<56x128xi32, #tpu.memory_space<vmem>> -> memref<1x128xi32, #tpu.memory_space<vmem>>
          %dma_start3A_62 = tpu.memref_squeeze %dma_start3A_61 : memref<1x128xi32, #tpu.memory_space<vmem>> -> memref<128xi32, #tpu.memory_space<vmem>>
          %dma_start3A_63 = arith.constant 0 : i32
          %dma_start3A_64 = tpu.memref_slice %arg7[%dma_start3A_63] : memref<100352xf32, #tpu.memory_space<vmem_shared>> -> memref<100352xf32, #tpu.memory_space<vmem_shared>>
          tpu.enqueue_indirect_dma source(%arg5 : memref<128xf32, #tpu.memory_space<vmem>>) target(%dma_start3A_64 : memref<100352xf32, #tpu.memory_space<vmem_shared>>) offsets(%dma_start3A_62 : memref<128xi32, #tpu.memory_space<vmem>>) semaphore(%run_scoped3A_60 : memref<!tpu.dma_semaphore, #tpu.memory_space<semaphore_mem>>) {add = true}
          %dma_wait3A = arith.constant 0 : i32
          %dma_wait3A_65 = tpu.memref_slice %arg4[%scan3A_57, %dma_wait3A] : memref<56x128xi32, #tpu.memory_space<vmem>> -> memref<1x128xi32, #tpu.memory_space<vmem>>
          %dma_wait3A_66 = tpu.memref_squeeze %dma_wait3A_65 : memref<1x128xi32, #tpu.memory_space<vmem>> -> memref<128xi32, #tpu.memory_space<vmem>>
          %dma_wait3A_67 = arith.constant 0 : i32
          %dma_wait3A_68 = tpu.memref_slice %arg7[%dma_wait3A_67] : memref<100352xf32, #tpu.memory_space<vmem_shared>> -> memref<100352xf32, #tpu.memory_space<vmem_shared>>
          tpu.wait_indirect_dma semaphore(%run_scoped3A_60 : memref<!tpu.dma_semaphore, #tpu.memory_space<semaphore_mem>>) src(%arg5 : memref<128xf32, #tpu.memory_space<vmem>>) dst(%dma_wait3A_68 : memref<100352xf32, #tpu.memory_space<vmem_shared>>)
          tpu.yield
        }) : () -> ()
        %scan3A_59 = arith.constant 0 : i32
        scf.yield %scan3A_59 : i32
      }
      %scan3A_55 = arith.constant 56 : i32
      %while3A_56 = arith.constant 0 : i32
      scf.yield %while3A_56 : i32
    }
    %eq3A = arith.constant 30 : i32
    %eq3A_39 = arith.cmpi eq, %add3A, %eq3A : i32
    %convert_element_type3A = arith.extui %eq3A_39 : i1 to i32
    %cond3A = arith.constant 0 : i32
    %cond3A_40 = arith.cmpi ne, %convert_element_type3A, %cond3A : i32
    scf.if %cond3A_40 {
      %run_scoped3A_42 = arith.constant 0 : i32
      "tpu.region"() ({
        %run_scoped3A_50 = tpu.sem_alloc : memref<!tpu.dma_semaphore, #tpu.memory_space<semaphore_mem>>
        %dma_start3A = arith.constant 0 : i32
        %dma_start3A_51 = arith.constant 0 : i32
        %dma_start3A_52 = tpu.memref_slice %arg4[%dma_start3A, %dma_start3A_51] : memref<56x128xi32, #tpu.memory_space<vmem>> -> memref<24x128xi32, #tpu.memory_space<vmem>>
        %dma_start3A_53 = arith.constant 24976 : i32
        %dma_start3A_54 = arith.constant 0 : i32
        %dma_start3A_55 = tpu.memref_slice %arg2[%run_scoped3A_42, %dma_start3A_53, %dma_start3A_54] : memref<2x25000x128xi32, #tpu.memory_space<hbm>> -> memref<1x24x128xi32, #tpu.memory_space<hbm>>
        %dma_start3A_56 = tpu.memref_squeeze %dma_start3A_55 : memref<1x24x128xi32, #tpu.memory_space<hbm>> -> memref<24x128xi32, #tpu.memory_space<hbm>>
        %dma_start3A_57 = arith.constant 0 : i32
        %dma_start3A_58 = arith.constant 0 : i32
        %dma_start3A_59 = tpu.memref_slice %arg4[%dma_start3A_57, %dma_start3A_58] : memref<56x128xi32, #tpu.memory_space<vmem>> -> memref<24x128xi32, #tpu.memory_space<vmem>>
        %dma_start3A_60 = arith.constant 24976 : i32
        %dma_start3A_61 = arith.constant 0 : i32
        %dma_start3A_62 = tpu.memref_slice %arg2[%run_scoped3A_42, %dma_start3A_60, %dma_start3A_61] : memref<2x25000x128xi32, #tpu.memory_space<hbm>> -> memref<1x24x128xi32, #tpu.memory_space<hbm>>
        %dma_start3A_63 = tpu.memref_squeeze %dma_start3A_62 : memref<1x24x128xi32, #tpu.memory_space<hbm>> -> memref<24x128xi32, #tpu.memory_space<hbm>>
        tpu.enqueue_dma source(%dma_start3A_63 : memref<24x128xi32, #tpu.memory_space<hbm>>) target(%dma_start3A_59 : memref<24x128xi32, #tpu.memory_space<vmem>>) target_semaphore(%run_scoped3A_50 : memref<!tpu.dma_semaphore, #tpu.memory_space<semaphore_mem>>)
        %dma_wait3A = arith.constant 0 : i32
        %dma_wait3A_64 = arith.constant 0 : i32
        %dma_wait3A_65 = tpu.memref_slice %arg4[%dma_wait3A, %dma_wait3A_64] : memref<56x128xi32, #tpu.memory_space<vmem>> -> memref<24x128xi32, #tpu.memory_space<vmem>>
        %dma_wait3A_66 = arith.constant 24976 : i32
        %dma_wait3A_67 = arith.constant 0 : i32
        %dma_wait3A_68 = tpu.memref_slice %arg2[%run_scoped3A_42, %dma_wait3A_66, %dma_wait3A_67] : memref<2x25000x128xi32, #tpu.memory_space<hbm>> -> memref<1x24x128xi32, #tpu.memory_space<hbm>>
        %dma_wait3A_69 = tpu.memref_squeeze %dma_wait3A_68 : memref<1x24x128xi32, #tpu.memory_space<hbm>> -> memref<24x128xi32, #tpu.memory_space<hbm>>
        %dma_wait3A_70 = arith.constant 0 : i32
        %dma_wait3A_71 = arith.constant 0 : i32
        %dma_wait3A_72 = tpu.memref_slice %arg4[%dma_wait3A_70, %dma_wait3A_71] : memref<56x128xi32, #tpu.memory_space<vmem>> -> memref<24x128xi32, #tpu.memory_space<vmem>>
        %dma_wait3A_73 = arith.constant 24976 : i32
        %dma_wait3A_74 = arith.constant 0 : i32
        %dma_wait3A_75 = tpu.memref_slice %arg2[%run_scoped3A_42, %dma_wait3A_73, %dma_wait3A_74] : memref<2x25000x128xi32, #tpu.memory_space<hbm>> -> memref<1x24x128xi32, #tpu.memory_space<hbm>>
        %dma_wait3A_76 = tpu.memref_squeeze %dma_wait3A_75 : memref<1x24x128xi32, #tpu.memory_space<hbm>> -> memref<24x128xi32, #tpu.memory_space<hbm>>
        tpu.wait_dma2 semaphore(%run_scoped3A_50 : memref<!tpu.dma_semaphore, #tpu.memory_space<semaphore_mem>>) src(%dma_wait3A_76 : memref<24x128xi32, #tpu.memory_space<hbm>>) dst(%dma_wait3A_72 : memref<24x128xi32, #tpu.memory_space<vmem>>)
        tpu.yield
      }) : () -> ()
      %scan3A_43 = arith.constant 0 : i32
      %scan3A_44 = arith.constant 0 : i32
      %scan3A_45 = arith.constant 24 : i32
      %scan3A_46 = arith.addi %scan3A_44, %scan3A_45 : i32
      %scan3A_47 = arith.constant 1 : i32
      %scan3A_48 = scf.for %scan3A_50 = %scan3A_44 to %scan3A_46 step %scan3A_47 iter_args(%scan3A_51 = %scan3A_43) -> (i32)  : i32 {
        "tpu.region"() ({
          %run_scoped3A_53 = tpu.sem_alloc : memref<!tpu.dma_semaphore, #tpu.memory_space<semaphore_mem>>
          %dma_start3A = arith.constant 0 : i32
          %dma_start3A_54 = tpu.memref_slice %arg4[%scan3A_50, %dma_start3A] : memref<56x128xi32, #tpu.memory_space<vmem>> -> memref<1x128xi32, #tpu.memory_space<vmem>>
          %dma_start3A_55 = tpu.memref_squeeze %dma_start3A_54 : memref<1x128xi32, #tpu.memory_space<vmem>> -> memref<128xi32, #tpu.memory_space<vmem>>
          %dma_start3A_56 = arith.constant 0 : i32
          %dma_start3A_57 = tpu.memref_slice %arg7[%dma_start3A_56] : memref<100352xf32, #tpu.memory_space<vmem_shared>> -> memref<100352xf32, #tpu.memory_space<vmem_shared>>
          tpu.enqueue_indirect_dma source(%arg5 : memref<128xf32, #tpu.memory_space<vmem>>) target(%dma_start3A_57 : memref<100352xf32, #tpu.memory_space<vmem_shared>>) offsets(%dma_start3A_55 : memref<128xi32, #tpu.memory_space<vmem>>) semaphore(%run_scoped3A_53 : memref<!tpu.dma_semaphore, #tpu.memory_space<semaphore_mem>>) {add = true}
          %dma_wait3A = arith.constant 0 : i32
          %dma_wait3A_58 = tpu.memref_slice %arg4[%scan3A_50, %dma_wait3A] : memref<56x128xi32, #tpu.memory_space<vmem>> -> memref<1x128xi32, #tpu.memory_space<vmem>>
          %dma_wait3A_59 = tpu.memref_squeeze %dma_wait3A_58 : memref<1x128xi32, #tpu.memory_space<vmem>> -> memref<128xi32, #tpu.memory_space<vmem>>
          %dma_wait3A_60 = arith.constant 0 : i32
          %dma_wait3A_61 = tpu.memref_slice %arg7[%dma_wait3A_60] : memref<100352xf32, #tpu.memory_space<vmem_shared>> -> memref<100352xf32, #tpu.memory_space<vmem_shared>>
          tpu.wait_indirect_dma semaphore(%run_scoped3A_53 : memref<!tpu.dma_semaphore, #tpu.memory_space<semaphore_mem>>) src(%arg5 : memref<128xf32, #tpu.memory_space<vmem>>) dst(%dma_wait3A_61 : memref<100352xf32, #tpu.memory_space<vmem_shared>>)
          tpu.yield
        }) : () -> ()
        %scan3A_52 = arith.constant 0 : i32
        scf.yield %scan3A_52 : i32
      }
      %scan3A_49 = arith.constant 24 : i32
    } else {
    }
    %barrier3A_41 = arith.constant 0 : index
    tpu.barrier barrier_id(%barrier3A_41)
    %run_scoped3A = arith.constant 0 : i32
    "tpu.region"() ({
      %run_scoped3A_42 = tpu.sem_alloc : memref<!tpu.dma_semaphore, #tpu.memory_space<semaphore_mem>>
      %dma_start3A = tpu.memref_slice %arg3[%arg0, %run_scoped3A, %multiple_of3A] : memref<2x1x100352xf32, #tpu.memory_space<hbm>> -> memref<1x1x6272xf32, #tpu.memory_space<hbm>>
      %dma_start3A_43 = tpu.memref_squeeze %dma_start3A : memref<1x1x6272xf32, #tpu.memory_space<hbm>> -> memref<6272xf32, #tpu.memory_space<hbm>>
      %dma_start3A_44 = tpu.memref_slice %arg7[%multiple_of3A] : memref<100352xf32, #tpu.memory_space<vmem_shared>> -> memref<6272xf32, #tpu.memory_space<vmem_shared>>
      tpu.enqueue_dma source(%dma_start3A_44 : memref<6272xf32, #tpu.memory_space<vmem_shared>>) target(%dma_start3A_43 : memref<6272xf32, #tpu.memory_space<hbm>>) target_semaphore(%run_scoped3A_42 : memref<!tpu.dma_semaphore, #tpu.memory_space<semaphore_mem>>)
      %dma_wait3A = tpu.memref_slice %arg3[%arg0, %run_scoped3A, %multiple_of3A] : memref<2x1x100352xf32, #tpu.memory_space<hbm>> -> memref<1x1x6272xf32, #tpu.memory_space<hbm>>
      %dma_wait3A_45 = tpu.memref_squeeze %dma_wait3A : memref<1x1x6272xf32, #tpu.memory_space<hbm>> -> memref<6272xf32, #tpu.memory_space<hbm>>
      %dma_wait3A_46 = tpu.memref_slice %arg7[%multiple_of3A] : memref<100352xf32, #tpu.memory_space<vmem_shared>> -> memref<6272xf32, #tpu.memory_space<vmem_shared>>
      tpu.wait_dma2 semaphore(%run_scoped3A_42 : memref<!tpu.dma_semaphore, #tpu.memory_space<semaphore_mem>>) src(%dma_wait3A_46 : memref<6272xf32, #tpu.memory_space<vmem_shared>>) dst(%dma_wait3A_45 : memref<6272xf32, #tpu.memory_space<hbm>>)
      tpu.yield
    }) : () -> ()
    return
  }
}

</mosaic_0001>

<sc_bundles>
// kernel: _hist_call.3.cloned.1.call-start
scs
__scs_entry_jumppad:
0x0: {  	(pc) =	sbr.rel $0x88, $3  }
0x1: {  	(tag) =	ssettag $0x0;
	lr =	simm.s32 $0x1  }
0x2: {  	[smem:$0x3FA0] =	sst lr;
	_ =	strace $0xD0000000  }
0x3: {  	_ = 	snop  }
0x4: {  	_ = 	snop  }
0x5: {  	_ = 	snop  }
0x6: {  	_ = 	snop  }
0x7: {  	_ = 	snop  }
__scs_overlays_trampoline_lowered:
0x8: {  	[smem:$0x3FAF] =	sst s0  }
0x9: {  	[smem:$0x3FB0] =	sst s1  }
0xa: {  	[smem:$0x3FB1] =	sst s2  }
0xb: {  	[smem:$0x3FB2] =	sst s3  }
0xc: {  	[smem:$0x3FB3] =	sst s4  }
0xd: {  	[smem:$0x3FB4] =	sst s5  }
0xe: {  	[smem:$0x3FB5] =	sst s6  }
0xf: {  	[smem:$0x3FB6] =	sst s7  }
0x10: {  	[smem:$0x3FB7] =	sst s8  }
0x11: {  	[smem:$0x3FB8] =	sst s9;
	s0 =	simm.s32 @!p0 $0x0  }
0x12: {  	s1 =	sld [smem:$0x3F9E];
	s0 =	simm.s32 @p0 $0x1  }
0x13: {  	[smem:$0x3FB9] =	sst s0;
	s0 =	simm.s32 @!p1 $0x0  }
0x14: {  	s2 =	sld [smem:$0x3F9D];
	s0 =	simm.s32 @p1 $0x1  }
0x15: {  	[smem:$0x3FBA] =	sst s0;
	s0 =	simm.s32 @!p2 $0x0  }
0x16: {  	s3 =	sld [smem:$0x3FDB];
	s0 =	simm.s32 @p2 $0x1  }
0x17: {  	s4 =	simm.s32 $0x1BF5;
	[smem:$0x3FBC] =	sst s0  }
0x18: {  	s0 =	sld [smem:$0x3F9F];
	_ =	swait.ge [sflag:s4], $0x0  }
0x19: {  	s7 =	sld [smem:$0x3FA0]  }
0x1a: {  	s8 =	sadd.s32 $0xFFFFE003, lr  }
0x1b: {  	s9 =	sadd.s32 $0xFFFFFEF7, lr;
	s5 =	simm.s32 $0xFFFFFFFF;
	p2 =	slt.u32 s8, $0xFFFFF086  }
0x1c: {  	p1 =	slt.u32 s9, $0xF7A;
	s5 =	simm.s32 @!p2 $0x0  }
0x1d: {  	s5 =	simm.s32 @p1 $0x1;
	p0 =	seq.s32 s7, s2  }
0x1e: {  	s7 =	smul.u32 @!p0 $0xF7A, s2;
	p2 =	seq.s32 @!p0 s5, $0x0  }
0x1f: {  	s9 =	smul.u32 $0xF7A, s1;
	s8 =	simm.s32 @!p0 $0x1BF5;
	p2 =	por !p2, p0  }
0x20: {  	[sflag:s8] =	ssyncset.s32 @!p0 $0xFFFFF086;
	s6 =	sadd.s32 @!p0 s3, s7;
	s7 =	simm.s32 @!p0 $0x108  }
0x21: {  	s3 =	sadd.s32 s3, s9;
	s6 =	sadd.s32 @!p0 $0x88, s6;
	s7 =	simm.s32 @p2 $0x1082  }
0x22: {  	[simem:s7], [sflag:s8] =	dma.local @!p0 [hbm:s6], $0xF7A  }
0x23: {  	s9 =	sor.u32 $0xD0000000, s2;
	s6 =	simm.s32 $0x108;
	_ =	swait.ge @!p0 [sflag:s8], $0x0  }
0x24: {  	s3 =	sadd.s32 $0x88, s3;
	s6 =	simm.s32 @!p1 $0x1082;
	[sflag:s4] =	ssyncset.s32 $0xFFFFF086  }
0x25: {  	[simem:s6], [sflag:s4] =	dma.local [hbm:s3], $0xF7A  }
0x26: {  	[smem:$0x3FA0] =	sst s1;
	(tag) =	ssettag s2;
	_ =	strace s9  }
0x27: {  	s1 =	sld [smem:$0x3FB0]  }
0x28: {  	s2 =	sld [smem:$0x3FB1]  }
0x29: {  	s4 =	sld [smem:$0x3FB3]  }
0x2a: {  	p0 =	seq.s32 s5, $0x0;
	s5 =	sld [smem:$0x3FB4]  }
0x2b: {  	s6 =	sld [smem:$0x3FB5]  }
0x2c: {  	s7 =	sld [smem:$0x3FB6]  }
0x2d: {  	s3 =	simm.s32 $0x108;
	s8 =	sld [smem:$0x3FB7]  }
0x2e: {  	s3 =	simm.s32 @!p0 $0x1082;
	s9 =	sld [smem:$0x3FB8]  }
0x2f: {  	lr =	sadd.s32 s0, s3;
	s0 =	sld [smem:$0x3FAF]  }
0x30: {  	s3 =	sld [smem:$0x3FB2]  }
0x31: {  	[smem:$0x3FBB] =	sst s10  }
0x32: {  	s10 =	sld [smem:$0x3FB9];
	_ =	sdelay $0x3  }
0x33: {  	p0 =	seq.s32 s10, $0x1;
	s10 =	sld [smem:$0x3FBB];
	_ =	sdelay $0x3  }
0x34: {  	[smem:$0x3FBB] =	sst s10  }
0x35: {  	s10 =	sld [smem:$0x3FBA];
	_ =	sdelay $0x3  }
0x36: {  	p1 =	seq.s32 s10, $0x1;
	s10 =	sld [smem:$0x3FBB];
	_ =	sdelay $0x3  }
0x37: {  	[smem:$0x3FBB] =	sst s10  }
0x38: {  	s10 =	sld [smem:$0x3FBC]  }
0x39: {  	_ = 	snop;
	(pc) =	sbr.ind lr, $3  }
0x3a: {  	_ = 	snop  }
0x3b: {  	_ = 	snop  }
0x3c: {  	p2 =	seq.s32 s10, $0x1;
	s10 =	sld [smem:$0x3FBB]  }
0x3d: {  	_ =	shalt  }
0x3e: {  	_ =	shalt  }
0x3f: {  	_ =	shalt  }
0x40: {  	_ =	shalt  }
0x41: {  	_ =	shalt  }
0x42: {  	_ =	shalt  }
0x43: {  	_ =	shalt  }
0x44: {  	_ =	shalt  }
0x45: {  	_ =	shalt  }
0x46: {  	_ =	shalt  }
0x47: {  	_ =	shalt  }
0x48: {  	_ =	shalt  }
0x49: {  	_ =	shalt  }
0x4a: {  	_ =	shalt  }
0x4b: {  	_ =	shalt  }
0x4c: {  	_ =	shalt  }
0x4d: {  	_ =	shalt  }
0x4e: {  	_ =	shalt  }
0x4f: {  	_ =	shalt  }
0x50: {  	_ =	shalt  }
0x51: {  	_ =	shalt  }
0x52: {  	_ =	shalt  }
0x53: {  	_ =	shalt  }
0x54: {  	_ =	shalt  }
0x55: {  	_ =	shalt  }
0x56: {  	_ =	shalt  }
0x57: {  	_ =	shalt  }
0x58: {  	_ =	shalt  }
0x59: {  	_ =	shalt  }
0x5a: {  	_ =	shalt  }
0x5b: {  	_ =	shalt  }
0x5c: {  	_ =	shalt  }
0x5d: {  	_ =	shalt  }
0x5e: {  	_ =	shalt  }
0x5f: {  	_ =	shalt  }
0x60: {  	_ =	shalt  }
0x61: {  	_ =	shalt  }
0x62: {  	_ =	shalt  }
0x63: {  	_ =	shalt  }
0x64: {  	_ =	shalt  }
0x65: {  	_ =	shalt  }
0x66: {  	_ =	shalt  }
0x67: {  	_ =	shalt  }
0x68: {  	_ =	shalt  }
0x69: {  	_ =	shalt  }
0x6a: {  	_ =	shalt  }
0x6b: {  	_ =	shalt  }
0x6c: {  	_ =	shalt  }
0x6d: {  	_ =	shalt  }
0x6e: {  	_ =	shalt  }
0x6f: {  	_ =	shalt  }
0x70: {  	_ =	shalt  }
0x71: {  	_ =	shalt  }
0x72: {  	_ =	shalt  }
0x73: {  	_ =	shalt  }
0x74: {  	_ =	shalt  }
0x75: {  	_ =	shalt  }
0x76: {  	_ =	shalt  }
0x77: {  	_ =	shalt  }
0x78: {  	_ =	shalt  }
0x79: {  	_ =	shalt  }
0x7a: {  	_ =	shalt  }
0x7b: {  	_ =	shalt  }
0x7c: {  	_ =	shalt  }
0x7d: {  	_ =	shalt  }
0x7e: {  	_ =	shalt  }
0x7f: {  	_ =	shalt  }
0x80: {  	_ =	shalt  }
0x81: {  	_ =	shalt  }
0x82: {  	_ =	shalt  }
0x83: {  	_ =	shalt  }
0x84: {  	_ =	shalt  }
0x85: {  	_ =	shalt  }
0x86: {  	_ =	shalt  }
0x87: {  	_ =	shalt  }
.Lfunc_end0:
.L_simem_size_0:
called_computation_lowered:
.L_overlay_start_0:
0x88: {  	s2 =	sld [smem:$0x3FD9]  }
0x89: {  	s3 =	sld [smem:$0x3FFE];
	_ =	sdelay $0x1  }
0x8a: {  	s1 =	srdreg.scid  }
0x8b: {  	s0 =	sand.u32 $0x1, s1  }
0x8c: {  	s18 =	sshll.u32 s0, $0xA;
	s2 =	sadd.s32 s3, s2  }
0x8d: {  	s2 =	sadd.s32 s2, s18  }
0x8e: {  	[smem:$0x3FC7] =	sst s2  }
0x8f: {  	_ = 	snop  }
0x90: {  	s2 =	sld [smem:$0x3FC9]  }
0x91: {  	s19 =	sld [smem:$0x3FD0];
	(tm) =	ssettm $0x1  }
0x92: {  	s4 =	sld [smem:$0x3FFB];
	_ =	sdelay $0x3  }
0x93: {  	_ =	strace s4  }
0x94: {  	s4 =	sld [smem:$0x3FFC];
	_ =	sdelay $0x3  }
0x95: {  	_ =	strace s4  }
0x96: {  	s4 =	sld [smem:$0x3FFD];
	_ =	sdelay $0x3  }
0x97: {  	_ =	strace s4  }
0x98: {  	_ =	strace $0x8FFFFFFF  }
0x99: {  	s20 =	sld [smem:$0x3FDB];
	_ =	sdelay $0x1  }
0x9a: {  	s5 =	simm.s32 $_scs_section_size  }
0x9b: {  	s6 =	simm.s32 $_size__tile_overlayer_lowered;
	s7 =	simm.s32 $_tile_overlayer_lowered  }
0x9c: {  	s23 =	simm.s32 $0x1BFF;
	s22 =	sshll.u32 s7, $0x1;
	s4 =	sadd.s32 s5, s20  }
0x9d: {  	s8 =	simm.s32 $0x0;
	s21 =	sshll.u32 s6, $0x1;
	s6 =	sadd.s32 s22, s4  }
0x9e: {  	[timem:s8], [sflag:s23] =	dma.local [hbm:s6], s21  }
0x9f: {  	_ =	swait.ge [sflag:s23], s21  }
0xa0: {  	s5 =	ssub.s32 $0x0, s21;
	[sflag:s23] =	ssyncset.done $0x0  }
0xa1: {  	[sflag:s23] =	ssyncadd.s32 s5;
	_ =	sdelay $0x1  }
0xa2: {  	s24 =	simm.s32 $0x1B8B  }
0xa3: {  	_ =	swait.ge [sflag:s24], $0x1  }
0xa4: {  	[sflag:s24] =	ssyncset.done $0x0  }
0xa5: {  	s25 =	simm.s32 $0x1B8E;
	[sflag:s24] =	ssyncadd.s32 $0xFFFFFFFF  }
0xa6: {  	s26 =	simm.s32 $execute0_lowered;
	[smem:$0x3FD2] =	sst s25  }
0xa7: {  	s5 =	sshll.u32 s26, $0x1;
	_ =	strace $0x80000046;
	[dreg:$0x1] =	wrdreg $0xFFFFFFFF  }
0xa8: {  	s28 =	simm.s32 $_size_execute0_lowered;
	s4 =	sadd.s32 s4, s5;
	[dreg:$0x0] =	wrdreg $0x0  }
0xa9: {  	s5 =	sshll.u32 s28, $0x1;
	[dreg:$0x2] =	wrdreg s4  }
0xaa: {  	[dreg:$0x3] =	wrdreg s5  }
0xab: {  	[dreg:$0x4] =	wrdreg $0xC0  }
0xac: {  	_ =	task [dreg:s8], $0x5FFFF  }
0xad: {  	[dreg:$0x1] =	wrdreg $0xFFFFFFFF  }
0xae: {  	[dreg:$0x0] =	wrdreg $0x60  }
0xaf: {  	[dreg:$0x2] =	wrdreg s2  }
0xb0: {  	[dreg:$0x3] =	wrdreg s19  }
0xb1: {  	[dreg:$0x4] =	wrdreg $0x35000  }
0xb2: {  	[dreg:$0x5] =	wrdreg $0x9  }
0xb3: {  	_ =	task.clear_ibuf [dreg:s8], $0x6FFFF;
	_ =	strace $0x90000046  }
0xb4: {  	s29 =	simm.s32 $0x9;
	_ =	strace $0x80000048  }
0xb5: {  	_ =	swait.ge [sflag:s29], $0x1  }
0xb6: {  	[sflag:s29] =	ssyncadd.s32 $0xFFFFFFFF  }
0xb7: {  	_ =	strace $0x90000048  }
0xb8: {  	_ =	sfence  }
0xb9: {  	s30 =	sld [smem:$0x0];
	_ =	sdelay $0x2  }
0xba: {  	s31 =	sshll.u32 s1, $0xD;
	s1 =	sshrl.u32 s1, $0x2  }
0xbb: {  	s3 =	sand.u32 $0x4000, s31;
	s1 =	sadd.s32 s1, s30  }
0xbc: {  	s0 =	sor.u32 s3, s0;
	s1 =	sshll.u32 s1, $0x11  }
0xbd: {  	s0 =	sor.u32 s1, s0  }
0xbe: {  	s0 =	sadd.s32 $0x8F2B, s0  }
0xbf: {  	[sflag:s0] =	ssyncadd.remote.s32 $0x1  }
0xc0: {  	_ =	sfence.sel $0xFFFF  }
0xc1: {  	[dreg:$0x0] =	wrdreg $0xFFFFFFFF;
	(pc) =	sbr.abs _section_cstart, $3  }
0xc2: {  	[dreg:$0x1] =	wrdreg $0xFFFFFFFF  }
0xc3: {  	_ =	task.clear_ibuf [dreg:s8], $0x2FFFF;
	_ =	strace $0x9FFFFFFF  }
0xc4: {  	(tm) =	ssettm $0x7FFFFFFF  }
0xc5: {  	_ =	shalt  }
tec
execute0_lowered:
.L_overlay_start_1:
0x0: {  	(tag) =	ssettag $0x1  }
0x1: {  	s0 =	rddreg [dreg:$0x0]  }
0x2: {  	s1 =	srdreg.scid;
	s9 =	rddreg [dreg:$0x1]  }
0x3: {  	s3 =	rddreg [dreg:$0x2];
	s2 =	stileid.u32;
	s12 =	simm.s32 $0x1  }
0x4: {  	s13 =	simm.s32 $0x80;
	s14 =	simm.s32 $0x1C00;
	s25 =	simm.s32 $0x600  }
0x5: {  	s26 =	simm.s32 $0x680;
	s28 =	simm.s32 $0x700;
	s29 =	simm.s32 $0x780  }
0x6: {  	s30 =	simm.s32 $0x800;
	s31 =	simm.s32 $0x880;
	s16 =	simm.s32 $0xA00  }
0x7: {  	s17 =	simm.s32 $0xA80;
	s18 =	simm.s32 $0xB00;
	s1 =	sand.u32 $0x1, s1  }
0x8: {  	s19 =	simm.s32 $0xB80;
	s8 =	smul.u32 $0x1880, s2;
	s4 =	sshll.u32 s1, $0x4  }
0x9: {  	s5 =	ssub.s32 $0x2, s1;
	s1 =	smul.u32 $0x18800, s1;
	s15 =	sor.u32 s2, s4  }
0xa: {  	s20 =	simm.s32 $0x0;
	s4 =	simm.s32 $0x0;
	s7 =	smul.u32 $0x310, s15  }
0xb: {  	s6 =	sshrl.u32 s5, $0x1;
	[smem:$0x7FF] =	sst s4;
	s10 =	smul.u32 $0x2D8, s15  }
0xc: {  	s11 =	ssub.s32 s5, s6;
	s5 =	sadd.s32 s8, s3;
	p0 =	slt.u32 s15, $0x1E  }
.Ltmp0:
0xd: {  	s1 =	sadd.s32 s8, s1;
	s8 =	sadd.s32 $0x61900, s0;
	(pc) =	sbr.rel .LBB2_1-.Ltmp0, $4  }
0xe: {  	_ =	strace $0x80000047;
	s1 =	sshrl.u32 s1, $0x3;
	s6 =	sadd.s32 $0x690, s10  }
0xf: {  	s9 =	sadd.s32 s9, s1;
	s10 =	smax.u32 s11, $0x1;
	s11 =	simm.s32 $0x1C80  }
0x10: {  	s1 =	simm.s32 $0x900;
	s6 =	smov.u32 @p0 s7;
	s7 =	simm.s32 $0xE  }
0x11: {  	v0 =	vimm.f32 $1.000000000e+00;
	v1 =	vimm.f32 $0.0e+00;
	s7 =	simm.s32 @!p0 $0xD;
	p0 =	sne.s32 s15, $0x1E;
	s15 =	simm.s32 $0x980  }
.LBB2_9:
0x12: {  	s20 =	sadd.s32 $0x1, s20  }
0x13: {  	s21 =	sshll.u32 s2, $0x6;
	[bflag:$0x0] =	sbarrier.arrive $0xFFFF;
	p1 =	sne.s32 s20, s10  }
.Ltmp1:
0x14: {  	s22 =	sshrl.u32 s5, $0x3;
	s21 =	sor.u32 $0x1C01, s21;
	(pc) =	sbr.rel @!p1 .LBB2_10-.Ltmp1, $4  }
0x15: {  	[hbm:s9], [sflag:s21] =	dma.local [spmem:s22], $0x310  }
0x16: {  	_ =	swait.ge [sflag:s12], $0x310  }
0x17: {  	[sflag:s12] =	ssyncset.done $0x0  }
0x18: {  	[sflag:s12] =	ssyncadd.s32 $0xFFFFFCF0  }
.LBB2_1:
0x19: {  	[tilespmem:$0x1C00] =	vst v0  }
0x1a: {  	[tilespmem:$0x1C10] =	vst v0  }
0x1b: {  	[tilespmem:$0x1C20] =	vst v0  }
0x1c: {  	[tilespmem:$0x1C30] =	vst v0  }
0x1d: {  	[tilespmem:$0x1C40] =	vst v0  }
0x1e: {  	[tilespmem:$0x1C50] =	vst v0  }
0x1f: {  	[tilespmem:$0x1C60] =	vst v0  }
0x20: {  	[tilespmem:$0x1C70] =	vst v0;
	s21 =	simm.s32 $0x40;
	s22 =	simm.s32 $0x0  }
.LBB2_2:
0x21: {  	p1 =	sne.s32 s21, $0x61C0;
	[tilespmem:s22+$0x1C80] =	vst v1;
	s22 =	smov.u32 s21;
	s21 =	sadd.s32 $0x40, s21  }
.Ltmp2:
0x22: {  	(pc) =	sbr.rel @p1 .LBB2_2-.Ltmp2, $2  }
0x23: {  	_ =	sdelay $0x2  }
0x24: {  	s22 =	sshra.s32 s22, $0x2  }
0x25: {  	[tilespmem:s22+$0x1C80] =	vst v1  }
0x26: {  	[spmem:s5] =	stream.linear.scatter [tilespmem:s11], [sflag:$0x1], $0x1880, $0x38;
	[tilespmem:$0x4D80] =	vst v63  }
0x27: {  	_ =	swait.ge [sflag:s12], $0x1880  }
0x28: {  	[sflag:s12] =	ssyncset.done $0x0  }
0x29: {  	[sflag:s12] =	ssyncadd.s32 $0xFFFFE780  }
0x2a: {  	s21 =	simm.s32 $0x0;
	s22 =	simm.s32 $0x0;
	[bflag:$0x0] =	sbarrier.arrive $0xFFFF  }
.LBB2_4:
0x2b: {  	s23 =	smul.u32 $0x38, s22;
	_ =	sdelay $0x1  }
0x2c: {  	s23 =	sadd.s32 s6, s23  }
0x2d: {  	s23 =	sshll.u32 s23, $0x4  }
0x2e: {  	s23 =	sand.u32 $0x1FFFFF80, s23  }
0x2f: {  	s23 =	sadd.s32 s0, s23  }
0x30: {  	[tilespmem:s21], [sflag:$0x1] =	stream.linear.gather [hbm4b:s23+s21], $0x1C00, $0x38;
	[tilespmem:$0x4D80] =	vst v63  }
0x31: {  	_ =	swait.ge [sflag:s12], $0x1C00  }
0x32: {  	[sflag:s12] =	ssyncset.done $0x0  }
0x33: {  	s24 =	simm.s32 $0x0;
	[sflag:s12] =	ssyncadd.s32 $0xFFFFE400  }
0x34: {  	[spmem:s3] =	stream.indirect.scatter.add.f32 [tilespmem:s14], [sflag:$0x1], $0x1, s24, s13, $0xb8;
	[tilespmem:$0x4D80] =	vst v63  }
0x35: {  	_ =	swait.ge [sflag:s12], $0x80  }
0x36: {  	s23 =	simm.s32 $0x200;
	[sflag:s12] =	ssyncset.done $0x0  }
.LBB2_5:
0x37: {  	s24 =	sshra.s32 s23, $0x2;
	[sflag:s12] =	ssyncadd.s32 $0xFFFFFF80;
	p1 =	sne.s32 s23, $0x6E00  }
0x38: {  	[spmem:s3] =	stream.indirect.scatter.add.f32 [tilespmem:s14], [sflag:$0x1], $0x1, s24, s13, $0xb8;
	[tilespmem:$0x4D80] =	vst v63  }
.Ltmp3:
0x39: {  	_ = 	snop;
	(pc) =	sbr.rel @p1 .LBB2_5-.Ltmp3, $4  }
0x3a: {  	_ = 	snop  }
0x3b: {  	s23 =	sadd.s32 $0x200, s23  }
0x3c: {  	_ =	swait.ge [sflag:s12], $0x80  }
0x3d: {  	[sflag:s12] =	ssyncset.done $0x0  }
0x3e: {  	s22 =	sadd.s32 $0x1, s22  }
0x3f: {  	p1 =	sne.s32 s22, s7  }
.Ltmp4:
0x40: {  	_ = 	snop;
	(pc) =	sbr.rel @p1 .LBB2_4-.Ltmp4, $2  }
0x41: {  	_ =	sdelay $0x2  }
0x42: {  	[sflag:s12] =	ssyncadd.s32 $0xFFFFFF80  }
.Ltmp5:
0x43: {  	(pc) =	sbr.rel @p0 .LBB2_9-.Ltmp5, $1  }
0x44: {  	_ =	sdelay $0x3  }
0x45: {  	[tilespmem:s4], [sflag:$0x1] =	stream.linear.gather [hbm4b:s8+s4], $0xC00, $0x38;
	[tilespmem:$0x4D80] =	vst v63  }
0x46: {  	_ =	swait.ge [sflag:s12], $0xC00  }
0x47: {  	[sflag:s12] =	ssyncset.done $0x0  }
0x48: {  	[sflag:s12] =	ssyncadd.s32 $0xFFFFF400  }
0x49: {  	[spmem:s3] =	stream.indirect.scatter.add.f32 [tilespmem:s14], [sflag:$0x1], $0x1, s4, s13, $0xb8;
	[tilespmem:$0x4D80] =	vst v63  }
0x4a: {  	_ =	swait.ge [sflag:s12], $0x80  }
0x4b: {  	[sflag:s12] =	ssyncset.done $0x0  }
0x4c: {  	[sflag:s12] =	ssyncadd.s32 $0xFFFFFF80  }
0x4d: {  	[spmem:s3] =	stream.indirect.scatter.add.f32 [tilespmem:s14], [sflag:$0x1], $0x1, s13, s13, $0xb8;
	[tilespmem:$0x4D80] =	vst v63  }
0x4e: {  	_ =	swait.ge [sflag:s12], $0x80  }
0x4f: {  	[sflag:s12] =	ssyncset.done $0x0  }
0x50: {  	s21 =	simm.s32 $0x100;
	[sflag:s12] =	ssyncadd.s32 $0xFFFFFF80  }
0x51: {  	[spmem:s3] =	stream.indirect.scatter.add.f32 [tilespmem:s14], [sflag:$0x1], $0x1, s21, s13, $0xb8;
	[tilespmem:$0x4D80] =	vst v63  }
0x52: {  	_ =	swait.ge [sflag:s12], $0x80  }
0x53: {  	[sflag:s12] =	ssyncset.done $0x0  }
0x54: {  	s22 =	simm.s32 $0x180;
	[sflag:s12] =	ssyncadd.s32 $0xFFFFFF80  }
0x55: {  	[spmem:s3] =	stream.indirect.scatter.add.f32 [tilespmem:s14], [sflag:$0x1], $0x1, s22, s13, $0xb8;
	[tilespmem:$0x4D80] =	vst v63  }
0x56: {  	_ =	swait.ge [sflag:s12], $0x80  }
0x57: {  	[sflag:s12] =	ssyncset.done $0x0  }
0x58: {  	s23 =	simm.s32 $0x200;
	[sflag:s12] =	ssyncadd.s32 $0xFFFFFF80  }
0x59: {  	[spmem:s3] =	stream.indirect.scatter.add.f32 [tilespmem:s14], [sflag:$0x1], $0x1, s23, s13, $0xb8;
	[tilespmem:$0x4D80] =	vst v63  }
0x5a: {  	_ =	swait.ge [sflag:s12], $0x80  }
0x5b: {  	[sflag:s12] =	ssyncset.done $0x0  }
0x5c: {  	s24 =	simm.s32 $0x280;
	[sflag:s12] =	ssyncadd.s32 $0xFFFFFF80  }
0x5d: {  	[spmem:s3] =	stream.indirect.scatter.add.f32 [tilespmem:s14], [sflag:$0x1], $0x1, s24, s13, $0xb8;
	[tilespmem:$0x4D80] =	vst v63  }
0x5e: {  	_ =	swait.ge [sflag:s12], $0x80  }
0x5f: {  	[sflag:s12] =	ssyncset.done $0x0  }
0x60: {  	s22 =	simm.s32 $0x300;
	[sflag:s12] =	ssyncadd.s32 $0xFFFFFF80  }
0x61: {  	[spmem:s3] =	stream.indirect.scatter.add.f32 [tilespmem:s14], [sflag:$0x1], $0x1, s22, s13, $0xb8;
	[tilespmem:$0x4D80] =	vst v63  }
0x62: {  	_ =	swait.ge [sflag:s12], $0x80  }
0x63: {  	[sflag:s12] =	ssyncset.done $0x0  }
0x64: {  	s23 =	simm.s32 $0x380;
	[sflag:s12] =	ssyncadd.s32 $0xFFFFFF80  }
0x65: {  	[spmem:s3] =	stream.indirect.scatter.add.f32 [tilespmem:s14], [sflag:$0x1], $0x1, s23, s13, $0xb8;
	[tilespmem:$0x4D80] =	vst v63  }
0x66: {  	_ =	swait.ge [sflag:s12], $0x80  }
0x67: {  	[sflag:s12] =	ssyncset.done $0x0  }
0x68: {  	s24 =	simm.s32 $0x400;
	[sflag:s12] =	ssyncadd.s32 $0xFFFFFF80  }
0x69: {  	[spmem:s3] =	stream.indirect.scatter.add.f32 [tilespmem:s14], [sflag:$0x1], $0x1, s24, s13, $0xb8;
	[tilespmem:$0x4D80] =	vst v63  }
0x6a: {  	_ =	swait.ge [sflag:s12], $0x80  }
0x6b: {  	[sflag:s12] =	ssyncset.done $0x0  }
0x6c: {  	s22 =	simm.s32 $0x480;
	[sflag:s12] =	ssyncadd.s32 $0xFFFFFF80  }
0x6d: {  	[spmem:s3] =	stream.indirect.scatter.add.f32 [tilespmem:s14], [sflag:$0x1], $0x1, s22, s13, $0xb8;
	[tilespmem:$0x4D80] =	vst v63  }
0x6e: {  	_ =	swait.ge [sflag:s12], $0x80  }
0x6f: {  	[sflag:s12] =	ssyncset.done $0x0  }
0x70: {  	s23 =	simm.s32 $0x500;
	[sflag:s12] =	ssyncadd.s32 $0xFFFFFF80  }
0x71: {  	[spmem:s3] =	stream.indirect.scatter.add.f32 [tilespmem:s14], [sflag:$0x1], $0x1, s23, s13, $0xb8;
	[tilespmem:$0x4D80] =	vst v63  }
0x72: {  	_ =	swait.ge [sflag:s12], $0x80  }
0x73: {  	[sflag:s12] =	ssyncset.done $0x0  }
0x74: {  	s24 =	simm.s32 $0x580;
	[sflag:s12] =	ssyncadd.s32 $0xFFFFFF80  }
0x75: {  	[spmem:s3] =	stream.indirect.scatter.add.f32 [tilespmem:s14], [sflag:$0x1], $0x1, s24, s13, $0xb8;
	[tilespmem:$0x4D80] =	vst v63  }
0x76: {  	_ =	swait.ge [sflag:s12], $0x80  }
0x77: {  	[sflag:s12] =	ssyncset.done $0x0  }
0x78: {  	[sflag:s12] =	ssyncadd.s32 $0xFFFFFF80  }
0x79: {  	[spmem:s3] =	stream.indirect.scatter.add.f32 [tilespmem:s14], [sflag:$0x1], $0x1, s25, s13, $0xb8;
	[tilespmem:$0x4D80] =	vst v63  }
0x7a: {  	_ =	swait.ge [sflag:s12], $0x80  }
0x7b: {  	[sflag:s12] =	ssyncset.done $0x0  }
0x7c: {  	[sflag:s12] =	ssyncadd.s32 $0xFFFFFF80  }
0x7d: {  	[spmem:s3] =	stream.indirect.scatter.add.f32 [tilespmem:s14], [sflag:$0x1], $0x1, s26, s13, $0xb8;
	[tilespmem:$0x4D80] =	vst v63  }
0x7e: {  	_ =	swait.ge [sflag:s12], $0x80  }
0x7f: {  	[sflag:s12] =	ssyncset.done $0x0  }
0x80: {  	[sflag:s12] =	ssyncadd.s32 $0xFFFFFF80  }
0x81: {  	[spmem:s3] =	stream.indirect.scatter.add.f32 [tilespmem:s14], [sflag:$0x1], $0x1, s28, s13, $0xb8;
	[tilespmem:$0x4D80] =	vst v63  }
0x82: {  	_ =	swait.ge [sflag:s12], $0x80  }
0x83: {  	[sflag:s12] =	ssyncset.done $0x0  }
0x84: {  	[sflag:s12] =	ssyncadd.s32 $0xFFFFFF80  }
0x85: {  	[spmem:s3] =	stream.indirect.scatter.add.f32 [tilespmem:s14], [sflag:$0x1], $0x1, s29, s13, $0xb8;
	[tilespmem:$0x4D80] =	vst v63  }
0x86: {  	_ =	swait.ge [sflag:s12], $0x80  }
0x87: {  	[sflag:s12] =	ssyncset.done $0x0  }
0x88: {  	[sflag:s12] =	ssyncadd.s32 $0xFFFFFF80  }
0x89: {  	[spmem:s3] =	stream.indirect.scatter.add.f32 [tilespmem:s14], [sflag:$0x1], $0x1, s30, s13, $0xb8;
	[tilespmem:$0x4D80] =	vst v63  }
0x8a: {  	_ =	swait.ge [sflag:s12], $0x80  }
0x8b: {  	[sflag:s12] =	ssyncset.done $0x0  }
0x8c: {  	[sflag:s12] =	ssyncadd.s32 $0xFFFFFF80  }
0x8d: {  	[spmem:s3] =	stream.indirect.scatter.add.f32 [tilespmem:s14], [sflag:$0x1], $0x1, s31, s13, $0xb8;
	[tilespmem:$0x4D80] =	vst v63  }
0x8e: {  	_ =	swait.ge [sflag:s12], $0x80  }
0x8f: {  	[sflag:s12] =	ssyncset.done $0x0  }
0x90: {  	[sflag:s12] =	ssyncadd.s32 $0xFFFFFF80  }
0x91: {  	[spmem:s3] =	stream.indirect.scatter.add.f32 [tilespmem:s14], [sflag:$0x1], $0x1, s1, s13, $0xb8;
	[tilespmem:$0x4D80] =	vst v63  }
0x92: {  	_ =	swait.ge [sflag:s12], $0x80  }
0x93: {  	[sflag:s12] =	ssyncset.done $0x0  }
0x94: {  	[sflag:s12] =	ssyncadd.s32 $0xFFFFFF80  }
0x95: {  	[spmem:s3] =	stream.indirect.scatter.add.f32 [tilespmem:s14], [sflag:$0x1], $0x1, s15, s13, $0xb8;
	[tilespmem:$0x4D80] =	vst v63  }
0x96: {  	_ =	swait.ge [sflag:s12], $0x80  }
0x97: {  	[sflag:s12] =	ssyncset.done $0x0  }
0x98: {  	[sflag:s12] =	ssyncadd.s32 $0xFFFFFF80  }
0x99: {  	[spmem:s3] =	stream.indirect.scatter.add.f32 [tilespmem:s14], [sflag:$0x1], $0x1, s16, s13, $0xb8;
	[tilespmem:$0x4D80] =	vst v63  }
0x9a: {  	_ =	swait.ge [sflag:s12], $0x80  }
0x9b: {  	[sflag:s12] =	ssyncset.done $0x0  }
0x9c: {  	[sflag:s12] =	ssyncadd.s32 $0xFFFFFF80  }
0x9d: {  	[spmem:s3] =	stream.indirect.scatter.add.f32 [tilespmem:s14], [sflag:$0x1], $0x1, s17, s13, $0xb8;
	[tilespmem:$0x4D80] =	vst v63  }
0x9e: {  	_ =	swait.ge [sflag:s12], $0x80  }
0x9f: {  	[sflag:s12] =	ssyncset.done $0x0  }
0xa0: {  	[sflag:s12] =	ssyncadd.s32 $0xFFFFFF80  }
0xa1: {  	[spmem:s3] =	stream.indirect.scatter.add.f32 [tilespmem:s14], [sflag:$0x1], $0x1, s18, s13, $0xb8;
	[tilespmem:$0x4D80] =	vst v63  }
0xa2: {  	_ =	swait.ge [sflag:s12], $0x80  }
0xa3: {  	[sflag:s12] =	ssyncset.done $0x0  }
.Ltmp6:
0xa4: {  	[sflag:s12] =	ssyncadd.s32 $0xFFFFFF80;
	(pc) =	sbr.rel .LBB2_9-.Ltmp6, $4  }
0xa5: {  	[spmem:s3] =	stream.indirect.scatter.add.f32 [tilespmem:s14], [sflag:$0x1], $0x1, s19, s13, $0xb8;
	[tilespmem:$0x4D80] =	vst v63  }
0xa6: {  	_ =	swait.ge [sflag:s12], $0x80  }
0xa7: {  	[sflag:s12] =	ssyncset.done $0x0  }
0xa8: {  	[sflag:s12] =	ssyncadd.s32 $0xFFFFFF80  }
.LBB2_10:
0xa9: {  	_ =	sfence.sel $0x180000  }
0xaa: {  	[bflag:$0x0] =	sbarrier.arrive $0xFFFF  }
0xab: {  	_ =	strace $0x90000047  }
0xac: {  	[bflag:$0x2] =	sbarrier.arrive $0xFFFF  }
0xad: {  	p0 =	sne.s32 s2, $0x0;
	s0 =	rddreg [dreg:$0x3]  }
0xae: {  	s0 =	sadd.s32 @!p0 $0x100000, s0  }
0xaf: {  	[sflag:s0] =	ssyncadd.tile.s32 @!p0 $0x1;
	_ =	shalt  }
.Lfunc_end2:
_tile_overlayer_lowered:
.L_overlay_start_2:
0xb0: {  	(tag) =	ssettag $0x2  }
0xb1: {  	s0 =	rddreg [dreg:$0x0];
	s2 =	stileid.u32  }
0xb2: {  	s1 =	rddreg [dreg:$0x1];
	p0 =	sne.s32 s2, $0x0  }
0xb3: {  	s3 =	rddreg [dreg:$0x2];
	[bflag:$0x3] =	sbarrier.arrive $0xFFFF;
	s2 =	simm.s32 @!p0 $0x1C01  }
0xb4: {  	[timem:s3], [sflag:s2] =	dma.local @!p0 [hbm:s0], s1  }
0xb5: {  	s0 =	simm.s32 @!p0 $0x1  }
0xb6: {  	_ =	swait.ge @!p0 [sflag:s0], s1  }
0xb7: {  	s1 =	ssub.s32 @!p0 $0x0, s1;
	[sflag:s0] =	ssyncset.done @!p0 $0x0  }
0xb8: {  	[sflag:s0] =	ssyncadd.s32 @!p0 s1  }
0xb9: {  	[bflag:$0x3] =	sbarrier.arrive $0xFFFF  }
0xba: {  	_ =	shalt  }

</sc_bundles>
